<compile_context>
chip_gen: v7x
topology: tpu7x:2x2x1
jax: 0.10.2.dev20260603
libtpu: 0.0.44.dev20260713+nightly
codegen_flags: <defaults>
</compile_context>

<pallas_src>
import functools

import jax
import jax.numpy as jnp
from jax import lax
from jax.experimental import pallas as pl
from jax.experimental.pallas import tpu as pltpu
from jax.experimental.pallas import tpu_sc as plsc

NUM_NEG = 5
ROW_CHUNK = 128


def _sc_gather(table, idx, num_rows):
    info = plsc.get_sparse_core_info()
    nc, ns = info.num_cores, info.num_subcores
    nw = nc * ns
    emb = table.shape[1]
    r_per_w = num_rows // nw
    n_ch = r_per_w // ROW_CHUNK
    mesh = plsc.VectorSubcoreMesh(core_axis_name="c", subcore_axis_name="s")

    @functools.partial(
        pl.kernel,
        mesh=mesh,
        out_type=jax.ShapeDtypeStruct((num_rows, emb), jnp.float32),
        compiler_params=pltpu.CompilerParams(use_tc_tiling_on_sc=False),
        scratch_types=[
            pltpu.VMEM((r_per_w,), jnp.int32),
            pltpu.VMEM((ROW_CHUNK, emb), jnp.float32),
            pltpu.SemaphoreType.DMA,
        ],
    )
    def k(table_hbm, idx_hbm, out_hbm, idx_v, rows_v, sem):
        wid = lax.axis_index("s") * nc + lax.axis_index("c")
        base = wid * r_per_w
        pltpu.sync_copy(idx_hbm.at[pl.ds(base, r_per_w)], idx_v)

        def body(ch, carry):
            off = ch * ROW_CHUNK
            pltpu.async_copy(
                table_hbm.at[idx_v.at[pl.ds(off, ROW_CHUNK)]], rows_v, sem
            ).wait()
            pltpu.sync_copy(rows_v, out_hbm.at[pl.ds(base + off, ROW_CHUNK)])
            return carry

        lax.fori_loop(0, n_ch, body, 0)

    return k(table, idx)


def _tc_loss_sum(rows3, hidden):
    b_total, emb = hidden.shape
    bb = 2048
    grid = b_total // bb

    def body(r_ref, h_ref, o_ref):
        r = r_ref[...]
        h = h_ref[...]
        s = jnp.sum(r * h[None, :, :], axis=2)
        sign = jnp.where(
            lax.broadcasted_iota(jnp.int32, (1 + NUM_NEG, 1), 0) == 0, 1.0, -1.0
        )
        tot = jnp.sum(jax.nn.log_sigmoid(s * sign))

        @pl.when(pl.program_id(0) == 0)
        def _():
            o_ref[...] = jnp.zeros_like(o_ref)

        o_ref[...] = o_ref[...] + tot

    out = pl.pallas_call(
        body,
        grid=(grid,),
        in_specs=[
            pl.BlockSpec((1 + NUM_NEG, bb, emb), lambda i: (0, i, 0)),
            pl.BlockSpec((bb, emb), lambda i: (i, 0)),
        ],
        out_specs=pl.BlockSpec((1, 1), lambda i: (0, 0)),
        out_shape=jax.ShapeDtypeStruct((1, 1), jnp.float32),
    )(rows3, hidden)
    return out[0, 0]


def kernel(hidden, positives, table):
    b, emb = hidden.shape
    vocab = table.shape[0]
    neg_key = jax.random.key(42)
    negatives = jax.random.randint(neg_key, (b, NUM_NEG), 1, vocab - 1, dtype=jnp.int32)
    idx = jnp.concatenate([positives, jnp.transpose(negatives).reshape(-1)])
    rows = _sc_gather(table, idx, (1 + NUM_NEG) * b)
    rows3 = rows.reshape(1 + NUM_NEG, b, emb)
    total = _tc_loss_sum(rows3, hidden)
    return -total / b

# --- scband reference (transcript-rebuilt; emitter-appended) ---
"""Pipeline reference for scband-sampled-softmax-loss-12128987643937 (READ-ONLY COPY).

The authoritative reference and input builder live on the scoring server;
editing this copy changes nothing except your own understanding.
"""

import jax, jax.numpy as jnp
import numpy as np

VOCAB = 1000000
EMB = 64
NUM_NEG = 5
BATCH = 16384
CONTEXT = 1


def setup_inputs(seed: int = 0) -> dict:
    key = jax.random.key(seed)
    k1, k2, k3 = jax.random.split(key, 3)
    hidden = jax.random.normal(k1, (BATCH, EMB), dtype=jnp.float32)
    positives = jax.random.randint(k2, (BATCH,), 0, VOCAB, dtype=jnp.int32)
    table = jax.random.normal(k3, (VOCAB, EMB), dtype=jnp.float32) * 0.02
    return {"hidden": hidden, "positives": positives, "table": table}


def reference(hidden, positives, table):
    # positives is 1-D -> batch_size = B, context_size = 1
    B = hidden.shape[0]
    # weights is None, padding=True -> negatives ~ uniform int in [1, VOCAB-2]
    neg_key = jax.random.key(42)
    negatives = jax.random.randint(neg_key, (B, CONTEXT * NUM_NEG), 1, VOCAB - 1, dtype=jnp.int32)
    # embedding lookups (gathers into large table)
    embedded_positives = jnp.take(table, positives, axis=0)  # [B, EMB]
    embedded_positives = embedded_positives[:, None, :]       # [B, 1, EMB]
    embedded_negatives = -jnp.take(table, negatives, axis=0)  # [B, NUM_NEG, EMB]
    h = hidden[:, :, None]                                    # [B, EMB, 1]
    p = jnp.matmul(embedded_positives, h).squeeze(-1)         # [B, 1]
    p_loss = jnp.mean(jnp.log(jax.nn.sigmoid(p)), axis=1)     # [B]
    n = jnp.matmul(embedded_negatives, h)                     # [B, NUM_NEG, 1]
    n = jnp.squeeze(n)                                        # [B, NUM_NEG]
    n_loss = jnp.mean(
        jnp.sum(jnp.log(jax.nn.sigmoid(n)).reshape(-1, CONTEXT, NUM_NEG), axis=2),
        axis=1,
    )                                                         # [B]
    return -jnp.mean(p_loss + n_loss)

if __name__ == "__main__":
    import jax
    _d = setup_inputs()
    print(jax.jit(kernel)(*tuple(_d.values())))

</pallas_src>

<mosaic_0001>
#map = affine_map<(d0, d1) -> (0, 0)>
#map1 = affine_map<(d0, d1) -> (0)>
module attributes {stable_mosaic.version = 14 : i64} {
  func.func @k(%arg0: i32, %arg1: i32, %arg2: memref<1000000x64xf32, #tpu.memory_space<hbm>>, %arg3: memref<98304xi32, #tpu.memory_space<hbm>>, %arg4: memref<98304x64xf32, #tpu.memory_space<hbm>>, %arg5: memref<3072xi32, #tpu.memory_space<vmem>>, %arg6: memref<128x64xf32, #tpu.memory_space<vmem>>, %arg7: memref<!tpu.dma_semaphore, #tpu.memory_space<semaphore_mem>>) attributes {dimension_semantics = [#tpu.dimension_semantics<core_parallel>, #tpu.dimension_semantics<subcore_parallel>], iteration_bounds = array<i64: 2, 16>, scalar_prefetch = 0 : i64, scratch_operands = 3 : i64, tpu.core_type = #tpu.core_type<sc_vector_subcore>, window_params = [{transform_indices = #map}, {transform_indices = #map1}, {transform_indices = #map}]} {
    %mul3A = arith.constant 2 : i32
    %mul3A_0 = arith.muli %arg1, %mul3A : i32
    %add3A = arith.addi %mul3A_0, %arg0 : i32
    %mul3A_1 = arith.constant 3072 : i32
    %mul3A_2 = arith.muli %add3A, %mul3A_1 : i32
    "tpu.region"() ({
      %run_scoped3A = tpu.sem_alloc : memref<!tpu.dma_semaphore, #tpu.memory_space<semaphore_mem>>
      %dma_start3A = tpu.memref_slice %arg3[%mul3A_2] : memref<98304xi32, #tpu.memory_space<hbm>> -> memref<3072xi32, #tpu.memory_space<hbm>>
      %dma_start3A_8 = tpu.memref_slice %arg3[%mul3A_2] : memref<98304xi32, #tpu.memory_space<hbm>> -> memref<3072xi32, #tpu.memory_space<hbm>>
      tpu.enqueue_dma source(%dma_start3A_8 : memref<3072xi32, #tpu.memory_space<hbm>>) target(%arg5 : memref<3072xi32, #tpu.memory_space<vmem>>) target_semaphore(%run_scoped3A : memref<!tpu.dma_semaphore, #tpu.memory_space<semaphore_mem>>)
      %dma_wait3A = tpu.memref_slice %arg3[%mul3A_2] : memref<98304xi32, #tpu.memory_space<hbm>> -> memref<3072xi32, #tpu.memory_space<hbm>>
      %dma_wait3A_9 = tpu.memref_slice %arg3[%mul3A_2] : memref<98304xi32, #tpu.memory_space<hbm>> -> memref<3072xi32, #tpu.memory_space<hbm>>
      tpu.wait_dma2 semaphore(%run_scoped3A : memref<!tpu.dma_semaphore, #tpu.memory_space<semaphore_mem>>) src(%dma_wait3A_9 : memref<3072xi32, #tpu.memory_space<hbm>>) dst(%arg5 : memref<3072xi32, #tpu.memory_space<vmem>>)
      tpu.yield
    }) : () -> ()
    %scan3A = arith.constant 0 : i32
    %scan3A_3 = arith.constant 0 : i32
    %scan3A_4 = arith.constant 24 : i32
    %scan3A_5 = arith.addi %scan3A_3, %scan3A_4 : i32
    %scan3A_6 = arith.constant 1 : i32
    scf.for %scan3A_8 = %scan3A_3 to %scan3A_5 step %scan3A_6  : i32 {
      %mul3A_9 = arith.constant 128 : i32
      %mul3A_10 = arith.muli %scan3A_8, %mul3A_9 : i32
      %dma_start3A = tpu.memref_slice %arg5[%mul3A_10] : memref<3072xi32, #tpu.memory_space<vmem>> -> memref<128xi32, #tpu.memory_space<vmem>>
      %dma_start3A_11 = arith.constant 0 : i32
      %dma_start3A_12 = arith.constant 0 : i32
      %dma_start3A_13 = tpu.memref_slice %arg2[%dma_start3A_11, %dma_start3A_12] : memref<1000000x64xf32, #tpu.memory_space<hbm>> -> memref<1000000x64xf32, #tpu.memory_space<hbm>>
      tpu.enqueue_indirect_dma source(%dma_start3A_13 : memref<1000000x64xf32, #tpu.memory_space<hbm>>) target(%arg6 : memref<128x64xf32, #tpu.memory_space<vmem>>) offsets(%dma_start3A : memref<128xi32, #tpu.memory_space<vmem>>) semaphore(%arg7 : memref<!tpu.dma_semaphore, #tpu.memory_space<semaphore_mem>>)
      %dma_wait3A = tpu.memref_slice %arg5[%mul3A_10] : memref<3072xi32, #tpu.memory_space<vmem>> -> memref<128xi32, #tpu.memory_space<vmem>>
      %dma_wait3A_14 = arith.constant 0 : i32
      %dma_wait3A_15 = arith.constant 0 : i32
      %dma_wait3A_16 = tpu.memref_slice %arg2[%dma_wait3A_14, %dma_wait3A_15] : memref<1000000x64xf32, #tpu.memory_space<hbm>> -> memref<1000000x64xf32, #tpu.memory_space<hbm>>
      tpu.wait_indirect_dma semaphore(%arg7 : memref<!tpu.dma_semaphore, #tpu.memory_space<semaphore_mem>>) src(%dma_wait3A_16 : memref<1000000x64xf32, #tpu.memory_space<hbm>>) dst(%arg6 : memref<128x64xf32, #tpu.memory_space<vmem>>)
      %add3A_17 = arith.addi %mul3A_2, %mul3A_10 : i32
      "tpu.region"() ({
        %run_scoped3A = tpu.sem_alloc : memref<!tpu.dma_semaphore, #tpu.memory_space<semaphore_mem>>
        %dma_start3A_18 = arith.constant 0 : i32
        %dma_start3A_19 = tpu.memref_slice %arg4[%add3A_17, %dma_start3A_18] : memref<98304x64xf32, #tpu.memory_space<hbm>> -> memref<128x64xf32, #tpu.memory_space<hbm>>
        %dma_start3A_20 = arith.constant 0 : i32
        %dma_start3A_21 = tpu.memref_slice %arg4[%add3A_17, %dma_start3A_20] : memref<98304x64xf32, #tpu.memory_space<hbm>> -> memref<128x64xf32, #tpu.memory_space<hbm>>
        tpu.enqueue_dma source(%arg6 : memref<128x64xf32, #tpu.memory_space<vmem>>) target(%dma_start3A_21 : memref<128x64xf32, #tpu.memory_space<hbm>>) target_semaphore(%run_scoped3A : memref<!tpu.dma_semaphore, #tpu.memory_space<semaphore_mem>>)
        %dma_wait3A_22 = arith.constant 0 : i32
        %dma_wait3A_23 = tpu.memref_slice %arg4[%add3A_17, %dma_wait3A_22] : memref<98304x64xf32, #tpu.memory_space<hbm>> -> memref<128x64xf32, #tpu.memory_space<hbm>>
        %dma_wait3A_24 = arith.constant 0 : i32
        %dma_wait3A_25 = tpu.memref_slice %arg4[%add3A_17, %dma_wait3A_24] : memref<98304x64xf32, #tpu.memory_space<hbm>> -> memref<128x64xf32, #tpu.memory_space<hbm>>
        tpu.wait_dma2 semaphore(%run_scoped3A : memref<!tpu.dma_semaphore, #tpu.memory_space<semaphore_mem>>) src(%arg6 : memref<128x64xf32, #tpu.memory_space<vmem>>) dst(%dma_wait3A_25 : memref<128x64xf32, #tpu.memory_space<hbm>>)
        tpu.yield
      }) : () -> ()
    }
    %scan3A_7 = arith.constant 24 : i32
    return
  }
}

module attributes {stable_mosaic.version = 14 : i64} {
  func.func @body(%arg0: i32, %arg1: memref<6x2048x64xf32, #tpu.memory_space<vmem>>, %arg2: memref<2048x64xf32, #tpu.memory_space<vmem>>, %arg3: memref<1x1xf32, #tpu.memory_space<vmem>>) attributes {dimension_semantics = [#tpu.dimension_semantics<arbitrary>], iteration_bounds = array<i64: 8>, scalar_prefetch = 0 : i64, scratch_operands = 0 : i64, tpu.core_type = #tpu.core_type<tc>, window_params = [{transform_indices = @transform_0, window_bounds = array<i64: 6, 2048, 64>}, {transform_indices = @transform_1, window_bounds = array<i64: 2048, 64>}, {pipeline_mode = #tpu.pipeline_mode<synchronous>, transform_indices = @transform_2, window_bounds = array<i64: 1, 1>}]} {
    %get3A = arith.constant 0 : index
    %get3A_0 = arith.constant 0 : index
    %get3A_1 = arith.constant 0 : index
    %get3A_2 = vector.load %arg1[%get3A, %get3A_0, %get3A_1] : memref<6x2048x64xf32, #tpu.memory_space<vmem>>, vector<6x2048x64xf32>
    %get3A_3 = arith.constant 0 : index
    %get3A_4 = arith.constant 0 : index
    %get3A_5 = vector.load %arg2[%get3A_3, %get3A_4] : memref<2048x64xf32, #tpu.memory_space<vmem>>, vector<2048x64xf32>
    %broadcast_in_dim3A = vector.shape_cast %get3A_5 : vector<2048x64xf32> to vector<1x2048x64xf32>
    %mul3A = vector.broadcast %broadcast_in_dim3A : vector<1x2048x64xf32> to vector<6x2048x64xf32>
    %mul3A_6 = arith.mulf %get3A_2, %mul3A : vector<6x2048x64xf32>
    %reduce_sum3A = arith.constant dense<0.000000e+00> : vector<6x2048xf32>
    %reduce_sum3A_7 = vector.multi_reduction <add>, %mul3A_6, %reduce_sum3A [2] : vector<6x2048x64xf32> to vector<6x2048xf32>
    %iota3A = tpu.iota {dimensions = array<i32: 0>} : vector<6x1xi32>
    %eq3A = arith.constant 0 : i32
    %eq3A_8 = vector.broadcast %eq3A : i32 to vector<6x1xi32>
    %eq3A_9 = arith.cmpi eq, %iota3A, %eq3A_8 : vector<6x1xi32>
    %jit3A = arith.constant 1.000000e+00 : f32
    %jit3A_10 = arith.constant -1.000000e+00 : f32
    %broadcast_in_dim3A_11 = vector.broadcast %jit3A : f32 to vector<6x1xf32>
    %broadcast_in_dim3A_12 = vector.broadcast %jit3A_10 : f32 to vector<6x1xf32>
    %select_n3A = arith.select %eq3A_9, %broadcast_in_dim3A_11, %broadcast_in_dim3A_12 : vector<6x1xi1>, vector<6x1xf32>
    %mul3A_13 = vector.broadcast %select_n3A : vector<6x1xf32> to vector<6x2048xf32>
    %mul3A_14 = arith.mulf %reduce_sum3A_7, %mul3A_13 : vector<6x2048xf32>
    %neg3A = arith.constant 0.000000e+00 : f32
    %neg3A_15 = vector.broadcast %neg3A : f32 to vector<6x2048xf32>
    %neg3A_16 = arith.subf %neg3A_15, %mul3A_14 : vector<6x2048xf32>
    %custom_jvp_call3A = arith.constant 0.000000e+00 : f32
    %max3A = vector.broadcast %custom_jvp_call3A : f32 to vector<6x2048xf32>
    %max3A_17 = arith.maximumf %neg3A_16, %max3A : vector<6x2048xf32>
    %sub3A = vector.broadcast %custom_jvp_call3A : f32 to vector<6x2048xf32>
    %sub3A_18 = arith.subf %neg3A_16, %sub3A : vector<6x2048xf32>
    %ne3A = arith.cmpf one, %sub3A_18, %sub3A_18 : vector<6x2048xf32>
    %add3A = vector.broadcast %custom_jvp_call3A : f32 to vector<6x2048xf32>
    %add3A_19 = arith.addf %neg3A_16, %add3A : vector<6x2048xf32>
    %abs3A = math.absf %sub3A_18 : vector<6x2048xf32>
    %neg3A_20 = arith.constant 0.000000e+00 : f32
    %neg3A_21 = vector.broadcast %neg3A_20 : f32 to vector<6x2048xf32>
    %neg3A_22 = arith.subf %neg3A_21, %abs3A : vector<6x2048xf32>
    %exp3A = math.exp %neg3A_22 : vector<6x2048xf32>
    %log1p3A = math.log1p %exp3A : vector<6x2048xf32>
    %add3A_23 = arith.addf %max3A_17, %log1p3A : vector<6x2048xf32>
    %select_n3A_24 = arith.select %ne3A, %add3A_19, %add3A_23 : vector<6x2048xi1>, vector<6x2048xf32>
    %neg3A_25 = arith.constant 0.000000e+00 : f32
    %neg3A_26 = vector.broadcast %neg3A_25 : f32 to vector<6x2048xf32>
    %neg3A_27 = arith.subf %neg3A_26, %select_n3A_24 : vector<6x2048xf32>
    %reduce_sum3A_28 = vector.shape_cast %neg3A_27 : vector<6x2048xf32> to vector<1x6x2048xf32>
    %reduce_sum3A_29 = arith.constant dense<0.000000e+00> : vector<1xf32>
    %reduce_sum3A_30 = vector.multi_reduction <add>, %reduce_sum3A_28, %reduce_sum3A_29 [1, 2] : vector<1x6x2048xf32> to vector<1xf32>
    %reduce_sum3A_31 = vector.shape_cast %reduce_sum3A_30 : vector<1xf32> to vector<1x1x1xf32>
    %reduce_sum3A_32 = vector.extract %reduce_sum3A_31[0, 0, 0] : f32 from vector<1x1x1xf32>
    %eq3A_33 = arith.constant 0 : i32
    %eq3A_34 = arith.cmpi eq, %arg0, %eq3A_33 : i32
    %convert_element_type3A = arith.extui %eq3A_34 : i1 to i32
    %cond3A = arith.constant 0 : i32
    %cond3A_35 = arith.cmpi ne, %convert_element_type3A, %cond3A : i32
    scf.if %cond3A_35 {
      %broadcast_in_dim3A_43 = arith.constant 0.000000e+00 : f32
      %broadcast_in_dim3A_44 = vector.broadcast %broadcast_in_dim3A_43 : f32 to vector<1x1xf32>
      %swap3A_45 = arith.constant 0 : index
      %swap3A_46 = arith.constant 0 : index
      %swap3A_47 = vector.load %arg3[%swap3A_45, %swap3A_46] : memref<1x1xf32, #tpu.memory_space<vmem>>, vector<1x1xf32>
      tpu.vector_store %arg3[%swap3A_45, %swap3A_46], %broadcast_in_dim3A_44 {strides = array<i32>} : memref<1x1xf32, #tpu.memory_space<vmem>>, vector<1x1xf32>,
    } else {
    }
    %get3A_36 = arith.constant 0 : index
    %get3A_37 = arith.constant 0 : index
    %get3A_38 = vector.load %arg3[%get3A_36, %get3A_37] : memref<1x1xf32, #tpu.memory_space<vmem>>, vector<1x1xf32>
    %add3A_39 = vector.broadcast %reduce_sum3A_32 : f32 to vector<1x1xf32>
    %add3A_40 = arith.addf %get3A_38, %add3A_39 : vector<1x1xf32>
    %swap3A = arith.constant 0 : index
    %swap3A_41 = arith.constant 0 : index
    %swap3A_42 = vector.load %arg3[%swap3A, %swap3A_41] : memref<1x1xf32, #tpu.memory_space<vmem>>, vector<1x1xf32>
    tpu.vector_store %arg3[%swap3A, %swap3A_41], %add3A_40 {strides = array<i32>} : memref<1x1xf32, #tpu.memory_space<vmem>>, vector<1x1xf32>,
    return
  }
  func.func @transform_0(%arg0: i32) -> (i32, i32, i32) {
    %c0_i32 = arith.constant 0 : i32
    %c0_i32_0 = arith.constant 0 : i32
    %c0_i32_1 = arith.constant 0 : i32
    return %c0_i32, %arg0, %c0_i32_0 : i32, i32, i32
  }
  func.func @transform_1(%arg0: i32) -> (i32, i32) {
    %c0_i32 = arith.constant 0 : i32
    %c0_i32_0 = arith.constant 0 : i32
    return %arg0, %c0_i32 : i32, i32
  }
  func.func @transform_2(%arg0: i32) -> (i32, i32) {
    %c0_i32 = arith.constant 0 : i32
    %c0_i32_0 = arith.constant 0 : i32
    %c0_i32_1 = arith.constant 0 : i32
    return %c0_i32, %c0_i32_0 : i32, i32
  }
}

</mosaic_0001>

<sc_bundles>
// kernel: kernel.4.cloned.1.call-start
scs
__scs_entry_jumppad:
0x0: {  	(pc) =	sbr.rel $0x88, $3  }
0x1: {  	(tag) =	ssettag $0x0;
	lr =	simm.s32 $0x1  }
0x2: {  	[smem:$0x3F9E] =	sst lr;
	_ =	strace $0xD0000000  }
0x3: {  	_ = 	snop  }
0x4: {  	_ = 	snop  }
0x5: {  	_ = 	snop  }
0x6: {  	_ = 	snop  }
0x7: {  	_ = 	snop  }
__scs_overlays_trampoline_lowered:
0x8: {  	[smem:$0x3FAD] =	sst s0  }
0x9: {  	[smem:$0x3FAE] =	sst s1  }
0xa: {  	[smem:$0x3FAF] =	sst s2  }
0xb: {  	[smem:$0x3FB0] =	sst s3  }
0xc: {  	[smem:$0x3FB1] =	sst s4  }
0xd: {  	[smem:$0x3FB2] =	sst s5  }
0xe: {  	[smem:$0x3FB3] =	sst s6  }
0xf: {  	[smem:$0x3FB4] =	sst s7  }
0x10: {  	[smem:$0x3FB5] =	sst s8  }
0x11: {  	[smem:$0x3FB6] =	sst s9;
	s0 =	simm.s32 @!p0 $0x0  }
0x12: {  	s1 =	sld [smem:$0x3F9C];
	s0 =	simm.s32 @p0 $0x1  }
0x13: {  	[smem:$0x3FB7] =	sst s0;
	s0 =	simm.s32 @!p1 $0x0  }
0x14: {  	s2 =	sld [smem:$0x3F9B];
	s0 =	simm.s32 @p1 $0x1  }
0x15: {  	[smem:$0x3FB8] =	sst s0;
	s0 =	simm.s32 @!p2 $0x0  }
0x16: {  	s3 =	sld [smem:$0x3FDB];
	s0 =	simm.s32 @p2 $0x1  }
0x17: {  	s4 =	simm.s32 $0x1BF5;
	[smem:$0x3FBA] =	sst s0  }
0x18: {  	s0 =	sld [smem:$0x3F9D];
	_ =	swait.ge [sflag:s4], $0x0  }
0x19: {  	s7 =	sld [smem:$0x3F9E]  }
0x1a: {  	s8 =	sadd.s32 $0xFFFFE003, lr  }
0x1b: {  	s9 =	sadd.s32 $0xFFFFFEF7, lr;
	s5 =	simm.s32 $0xFFFFFFFF;
	p2 =	slt.u32 s8, $0xFFFFF086  }
0x1c: {  	p1 =	slt.u32 s9, $0xF7A;
	s5 =	simm.s32 @!p2 $0x0  }
0x1d: {  	s5 =	simm.s32 @p1 $0x1;
	p0 =	seq.s32 s7, s2  }
0x1e: {  	s7 =	smul.u32 @!p0 $0xF7A, s2;
	p2 =	seq.s32 @!p0 s5, $0x0  }
0x1f: {  	s9 =	smul.u32 $0xF7A, s1;
	s8 =	simm.s32 @!p0 $0x1BF5;
	p2 =	por !p2, p0  }
0x20: {  	[sflag:s8] =	ssyncset.s32 @!p0 $0xFFFFF086;
	s6 =	sadd.s32 @!p0 s3, s7;
	s7 =	simm.s32 @!p0 $0x108  }
0x21: {  	s3 =	sadd.s32 s3, s9;
	s6 =	sadd.s32 @!p0 $0x88, s6;
	s7 =	simm.s32 @p2 $0x1082  }
0x22: {  	[simem:s7], [sflag:s8] =	dma.local @!p0 [hbm:s6], $0xF7A  }
0x23: {  	s9 =	sor.u32 $0xD0000000, s2;
	s6 =	simm.s32 $0x108;
	_ =	swait.ge @!p0 [sflag:s8], $0x0  }
0x24: {  	s3 =	sadd.s32 $0x88, s3;
	s6 =	simm.s32 @!p1 $0x1082;
	[sflag:s4] =	ssyncset.s32 $0xFFFFF086  }
0x25: {  	[simem:s6], [sflag:s4] =	dma.local [hbm:s3], $0xF7A  }
0x26: {  	[smem:$0x3F9E] =	sst s1;
	(tag) =	ssettag s2;
	_ =	strace s9  }
0x27: {  	s1 =	sld [smem:$0x3FAE]  }
0x28: {  	s2 =	sld [smem:$0x3FAF]  }
0x29: {  	s4 =	sld [smem:$0x3FB1]  }
0x2a: {  	p0 =	seq.s32 s5, $0x0;
	s5 =	sld [smem:$0x3FB2]  }
0x2b: {  	s6 =	sld [smem:$0x3FB3]  }
0x2c: {  	s7 =	sld [smem:$0x3FB4]  }
0x2d: {  	s3 =	simm.s32 $0x108;
	s8 =	sld [smem:$0x3FB5]  }
0x2e: {  	s3 =	simm.s32 @!p0 $0x1082;
	s9 =	sld [smem:$0x3FB6]  }
0x2f: {  	lr =	sadd.s32 s0, s3;
	s0 =	sld [smem:$0x3FAD]  }
0x30: {  	s3 =	sld [smem:$0x3FB0]  }
0x31: {  	[smem:$0x3FB9] =	sst s10  }
0x32: {  	s10 =	sld [smem:$0x3FB7];
	_ =	sdelay $0x3  }
0x33: {  	p0 =	seq.s32 s10, $0x1;
	s10 =	sld [smem:$0x3FB9];
	_ =	sdelay $0x3  }
0x34: {  	[smem:$0x3FB9] =	sst s10  }
0x35: {  	s10 =	sld [smem:$0x3FB8];
	_ =	sdelay $0x3  }
0x36: {  	p1 =	seq.s32 s10, $0x1;
	s10 =	sld [smem:$0x3FB9];
	_ =	sdelay $0x3  }
0x37: {  	[smem:$0x3FB9] =	sst s10  }
0x38: {  	s10 =	sld [smem:$0x3FBA]  }
0x39: {  	_ = 	snop;
	(pc) =	sbr.ind lr, $3  }
0x3a: {  	_ = 	snop  }
0x3b: {  	_ = 	snop  }
0x3c: {  	p2 =	seq.s32 s10, $0x1;
	s10 =	sld [smem:$0x3FB9]  }
0x3d: {  	_ =	shalt  }
0x3e: {  	_ =	shalt  }
0x3f: {  	_ =	shalt  }
0x40: {  	_ =	shalt  }
0x41: {  	_ =	shalt  }
0x42: {  	_ =	shalt  }
0x43: {  	_ =	shalt  }
0x44: {  	_ =	shalt  }
0x45: {  	_ =	shalt  }
0x46: {  	_ =	shalt  }
0x47: {  	_ =	shalt  }
0x48: {  	_ =	shalt  }
0x49: {  	_ =	shalt  }
0x4a: {  	_ =	shalt  }
0x4b: {  	_ =	shalt  }
0x4c: {  	_ =	shalt  }
0x4d: {  	_ =	shalt  }
0x4e: {  	_ =	shalt  }
0x4f: {  	_ =	shalt  }
0x50: {  	_ =	shalt  }
0x51: {  	_ =	shalt  }
0x52: {  	_ =	shalt  }
0x53: {  	_ =	shalt  }
0x54: {  	_ =	shalt  }
0x55: {  	_ =	shalt  }
0x56: {  	_ =	shalt  }
0x57: {  	_ =	shalt  }
0x58: {  	_ =	shalt  }
0x59: {  	_ =	shalt  }
0x5a: {  	_ =	shalt  }
0x5b: {  	_ =	shalt  }
0x5c: {  	_ =	shalt  }
0x5d: {  	_ =	shalt  }
0x5e: {  	_ =	shalt  }
0x5f: {  	_ =	shalt  }
0x60: {  	_ =	shalt  }
0x61: {  	_ =	shalt  }
0x62: {  	_ =	shalt  }
0x63: {  	_ =	shalt  }
0x64: {  	_ =	shalt  }
0x65: {  	_ =	shalt  }
0x66: {  	_ =	shalt  }
0x67: {  	_ =	shalt  }
0x68: {  	_ =	shalt  }
0x69: {  	_ =	shalt  }
0x6a: {  	_ =	shalt  }
0x6b: {  	_ =	shalt  }
0x6c: {  	_ =	shalt  }
0x6d: {  	_ =	shalt  }
0x6e: {  	_ =	shalt  }
0x6f: {  	_ =	shalt  }
0x70: {  	_ =	shalt  }
0x71: {  	_ =	shalt  }
0x72: {  	_ =	shalt  }
0x73: {  	_ =	shalt  }
0x74: {  	_ =	shalt  }
0x75: {  	_ =	shalt  }
0x76: {  	_ =	shalt  }
0x77: {  	_ =	shalt  }
0x78: {  	_ =	shalt  }
0x79: {  	_ =	shalt  }
0x7a: {  	_ =	shalt  }
0x7b: {  	_ =	shalt  }
0x7c: {  	_ =	shalt  }
0x7d: {  	_ =	shalt  }
0x7e: {  	_ =	shalt  }
0x7f: {  	_ =	shalt  }
0x80: {  	_ =	shalt  }
0x81: {  	_ =	shalt  }
0x82: {  	_ =	shalt  }
0x83: {  	_ =	shalt  }
0x84: {  	_ =	shalt  }
0x85: {  	_ =	shalt  }
0x86: {  	_ =	shalt  }
0x87: {  	_ =	shalt  }
.Lfunc_end0:
.L_simem_size_0:
called_computation_lowered:
.L_overlay_start_0:
0x88: {  	s2 =	sld [smem:$0x3FD9]  }
0x89: {  	s3 =	sld [smem:$0x3FFE];
	_ =	sdelay $0x1  }
0x8a: {  	s1 =	srdreg.scid  }
0x8b: {  	s0 =	sand.u32 $0x1, s1  }
0x8c: {  	s16 =	sshll.u32 s0, $0xA;
	s2 =	sadd.s32 s3, s2  }
0x8d: {  	s2 =	sadd.s32 s2, s16  }
0x8e: {  	[smem:$0x3FC5] =	sst s2  }
0x8f: {  	_ = 	snop  }
0x90: {  	(tm) =	ssettm $0x1  }
0x91: {  	s17 =	sld [smem:$0x3FFB];
	_ =	sdelay $0x3  }
0x92: {  	_ =	strace s17  }
0x93: {  	s2 =	sld [smem:$0x3FFC];
	_ =	sdelay $0x3  }
0x94: {  	_ =	strace s2  }
0x95: {  	s2 =	sld [smem:$0x3FFD];
	_ =	sdelay $0x3  }
0x96: {  	_ =	strace s2  }
0x97: {  	_ =	strace $0x8FFFFFFF  }
0x98: {  	s18 =	sld [smem:$0x3FDB];
	_ =	sdelay $0x1  }
0x99: {  	s19 =	simm.s32 $_scs_section_size  }
0x9a: {  	s4 =	simm.s32 $_size__tile_overlayer_lowered;
	s5 =	simm.s32 $_tile_overlayer_lowered  }
0x9b: {  	s22 =	simm.s32 $0x1BFF;
	s21 =	sshll.u32 s5, $0x1;
	s2 =	sadd.s32 s19, s18  }
0x9c: {  	s6 =	simm.s32 $0x0;
	s20 =	sshll.u32 s4, $0x1;
	s4 =	sadd.s32 s21, s2  }
0x9d: {  	[timem:s6], [sflag:s22] =	dma.local [hbm:s4], s20  }
0x9e: {  	_ =	swait.ge [sflag:s22], s20  }
0x9f: {  	s3 =	ssub.s32 $0x0, s20;
	[sflag:s22] =	ssyncset.done $0x0  }
0xa0: {  	[sflag:s22] =	ssyncadd.s32 s3;
	_ =	sdelay $0x1  }
0xa1: {  	s23 =	simm.s32 $0x1B8B  }
0xa2: {  	_ =	swait.ge [sflag:s23], $0x1  }
0xa3: {  	[sflag:s23] =	ssyncset.done $0x0  }
0xa4: {  	s25 =	simm.s32 $0x1B8E;
	s24 =	sld [smem:$0x3FFE];
	[sflag:s23] =	ssyncadd.s32 $0xFFFFFFFF  }
0xa5: {  	s26 =	simm.s32 $execute0_lowered;
	[smem:$0x3FD2] =	sst s25  }
0xa6: {  	s4 =	sshll.u32 s26, $0x1;
	_ =	strace $0x80000046;
	[dreg:$0x1] =	wrdreg $0xFFFFFFFF  }
0xa7: {  	s28 =	simm.s32 $_size_execute0_lowered;
	s2 =	sadd.s32 s2, s4;
	[dreg:$0x0] =	wrdreg $0x0  }
0xa8: {  	s4 =	sshll.u32 s28, $0x1;
	[dreg:$0x2] =	wrdreg s2  }
0xa9: {  	[dreg:$0x3] =	wrdreg s4  }
0xaa: {  	[dreg:$0x4] =	wrdreg $0xC0  }
0xab: {  	_ =	task [dreg:s6], $0x5FFFF  }
0xac: {  	[dreg:$0x1] =	wrdreg $0xFFFFFFFF  }
0xad: {  	[dreg:$0x0] =	wrdreg $0x60  }
0xae: {  	[dreg:$0x2] =	wrdreg s24  }
0xaf: {  	[dreg:$0x3] =	wrdreg $0x9  }
0xb0: {  	_ =	task.clear_ibuf [dreg:s6], $0x4FFFF;
	_ =	strace $0x90000046  }
0xb1: {  	s29 =	simm.s32 $0x9;
	_ =	strace $0x80000048  }
0xb2: {  	_ =	swait.ge [sflag:s29], $0x1  }
0xb3: {  	[sflag:s29] =	ssyncadd.s32 $0xFFFFFFFF  }
0xb4: {  	_ =	strace $0x90000048  }
0xb5: {  	_ =	sfence  }
0xb6: {  	s30 =	sld [smem:$0x0];
	_ =	sdelay $0x2  }
0xb7: {  	s31 =	sshll.u32 s1, $0xD;
	s1 =	sshrl.u32 s1, $0x2  }
0xb8: {  	s3 =	sand.u32 $0x4000, s31;
	s1 =	sadd.s32 s1, s30  }
0xb9: {  	s0 =	sor.u32 s3, s0;
	s1 =	sshll.u32 s1, $0x11  }
0xba: {  	s0 =	sor.u32 s1, s0  }
0xbb: {  	s0 =	sadd.s32 $0x8F2B, s0  }
0xbc: {  	[sflag:s0] =	ssyncadd.remote.s32 $0x1  }
0xbd: {  	_ =	sfence.sel $0xFFFF  }
0xbe: {  	[dreg:$0x0] =	wrdreg $0xFFFFFFFF;
	(pc) =	sbr.abs _section_cstart, $3  }
0xbf: {  	[dreg:$0x1] =	wrdreg $0xFFFFFFFF  }
0xc0: {  	_ =	task.clear_ibuf [dreg:s6], $0x2FFFF;
	_ =	strace $0x9FFFFFFF  }
0xc1: {  	(tm) =	ssettm $0x7FFFFFFF  }
tec
execute0_lowered:
.L_overlay_start_1:
0x0: {  	(tag) =	ssettag $0x1  }
0x1: {  	s4 =	rddreg [dreg:$0x0]  }
0x2: {  	s0 =	rddreg [dreg:$0x1]  }
0x3: {  	s3 =	srdreg.scid;
	s1 =	stileid.u32;
	s2 =	simm.s32 $0x0  }
0x4: {  	s11 =	simm.s32 $0x0;
	s5 =	sand.u32 $0x1, s3;
	s28 =	sshll.u32 s1, $0x1  }
0x5: {  	[smem:$0x7FF] =	sst s2;
	s7 =	smul.u32 $0xC000, s1;
	s3 =	sor.u32 s5, s28  }
0x6: {  	_ =	strace $0x80000047;
	s8 =	ssub.s32 $0x2, s5;
	s10 =	smul.u32 $0x6000, s5  }
0x7: {  	s6 =	smul.u32 $0xC00, s3;
	s3 =	sadd.s32 $0xF45600, s4;
	s9 =	sshrl.u32 s8, $0x1  }
0x8: {  	s30 =	sadd.s32 s7, s4;
	s7 =	simm.s32 $0x2;
	s31 =	ssub.s32 s8, s9  }
0x9: {  	s8 =	simm.s32 $0x80;
	s9 =	simm.s32 $0xC00;
	s6 =	sshrl.u32 s6, $0x3  }
0xa: {  	s5 =	smax.u32 s31, $0x1;
	s29 =	sadd.s32 s6, s4;
	s6 =	sadd.s32 s10, s30  }
0xb: {  	s10 =	simm.s32 $0x1;
	s4 =	sadd.s32 $0x1600, s29;
	s6 =	sadd.s32 $0x4600, s6  }
.LBB2_1:
0xc: {  	[tilespmem:s2], [sflag:$0x2] =	stream.linear.gather [hbm4b:s4+s2], $0xC00, $0x38;
	[tilespmem:$0x2C00] =	vst v63  }
0xd: {  	_ =	swait.ge [sflag:s7], $0xC00  }
0xe: {  	[sflag:s7] =	ssyncset.done $0x0  }
0xf: {  	s12 =	simm.s32 $0x0;
	[sflag:s7] =	ssyncadd.s32 $0xFFFFF400  }
0x10: {  	[tilespmem:s9], [sflag:$0x1] =	stream.indirect.gather [hbm4b:s3+s8], $0x40, s12, s8, $0xb8;
	[tilespmem:$0x2C00] =	vst v63  }
0x11: {  	_ =	swait.ge [sflag:s10], $0x2000  }
0x12: {  	[sflag:s10] =	ssyncset.done $0x0  }
0x13: {  	[sflag:s10] =	ssyncadd.s32 $0xFFFFE000  }
0x14: {  	[hbm4b:s6+s2] =	stream.linear.scatter [tilespmem:s9], [sflag:$0x2], $0x2000, $0x38;
	[tilespmem:$0x2C00] =	vst v63  }
0x15: {  	s13 =	simm.s32 $0x200;
	_ =	swait.ge [sflag:s7], $0x2000  }
0x16: {  	s14 =	simm.s32 $0x400;
	s12 =	sadd.s32 $0x400, s6;
	[sflag:s7] =	ssyncset.done $0x0  }
.LBB2_2:
0x17: {  	s15 =	sshra.s32 s13, $0x2  }
0x18: {  	[sflag:s7] =	ssyncadd.s32 $0xFFFFE000;
	s13 =	smov.u32 s14;
	s16 =	sadd.s32 $0x200, s14  }
0x19: {  	[tilespmem:s9], [sflag:$0x1] =	stream.indirect.gather [hbm4b:s3+s8], $0x40, s15, s8, $0xb8;
	[tilespmem:$0x2C00] =	vst v63  }
0x1a: {  	p0 =	sne.s32 s14, $0x2E00;
	_ =	swait.ge [sflag:s10], $0x2000  }
.Ltmp0:
0x1b: {  	[sflag:s10] =	ssyncset.done $0x0;
	(pc) =	sbr.rel @p0 .LBB2_2-.Ltmp0, $4  }
0x1c: {  	[sflag:s10] =	ssyncadd.s32 $0xFFFFE000  }
0x1d: {  	[hbm4b:s12+s2] =	stream.linear.scatter [tilespmem:s9], [sflag:$0x2], $0x2000, $0x38;
	[tilespmem:$0x2C00] =	vst v63  }
0x1e: {  	_ =	swait.ge [sflag:s7], $0x2000  }
0x1f: {  	s14 =	smov.u32 s16;
	s12 =	sadd.s32 $0x400, s12;
	[sflag:s7] =	ssyncset.done $0x0  }
0x20: {  	s13 =	sshra.s32 s13, $0x2;
	[sflag:s7] =	ssyncadd.s32 $0xFFFFE000  }
0x21: {  	[tilespmem:s9], [sflag:$0x1] =	stream.indirect.gather [hbm4b:s3+s8], $0x40, s13, s8, $0xb8;
	[tilespmem:$0x2C00] =	vst v63  }
0x22: {  	s11 =	sadd.s32 $0x1, s11;
	_ =	swait.ge [sflag:s10], $0x2000  }
0x23: {  	p0 =	sne.s32 s11, s5;
	[sflag:s10] =	ssyncset.done $0x0  }
.Ltmp1:
0x24: {  	[sflag:s10] =	ssyncadd.s32 $0xFFFFE000;
	(pc) =	sbr.rel @p0 .LBB2_1-.Ltmp1, $4  }
0x25: {  	[hbm4b:s12+s2] =	stream.linear.scatter [tilespmem:s9], [sflag:$0x2], $0x2000, $0x38;
	[tilespmem:$0x2C00] =	vst v63  }
0x26: {  	_ =	swait.ge [sflag:s7], $0x2000  }
0x27: {  	[sflag:s7] =	ssyncset.done $0x0  }
0x28: {  	[sflag:s7] =	ssyncadd.s32 $0xFFFFE000  }
0x29: {  	_ =	sfence.sel $0x180000  }
0x2a: {  	[bflag:$0x0] =	sbarrier.arrive $0xFFFF  }
0x2b: {  	p0 =	sne.s32 s1, $0x0;
	_ =	strace $0x90000047  }
0x2c: {  	s0 =	sadd.s32 @!p0 $0x100000, s0;
	[bflag:$0x2] =	sbarrier.arrive $0xFFFF  }
0x2d: {  	[sflag:s0] =	ssyncadd.tile.s32 @!p0 $0x1;
	_ =	shalt  }
.Lfunc_end2:
_tile_overlayer_lowered:
.L_overlay_start_2:
0x2e: {  	(tag) =	ssettag $0x2  }
0x2f: {  	s0 =	rddreg [dreg:$0x0];
	s2 =	stileid.u32  }
0x30: {  	s1 =	rddreg [dreg:$0x1];
	p0 =	sne.s32 s2, $0x0  }
0x31: {  	s3 =	rddreg [dreg:$0x2];
	[bflag:$0x3] =	sbarrier.arrive $0xFFFF;
	s2 =	simm.s32 @!p0 $0x1C02  }
0x32: {  	[timem:s3], [sflag:s2] =	dma.local @!p0 [hbm:s0], s1  }
0x33: {  	s0 =	simm.s32 @!p0 $0x2  }
0x34: {  	_ =	swait.ge @!p0 [sflag:s0], s1  }
0x35: {  	s1 =	ssub.s32 @!p0 $0x0, s1;
	[sflag:s0] =	ssyncset.done @!p0 $0x0  }
0x36: {  	[sflag:s0] =	ssyncadd.s32 @!p0 s1  }
0x37: {  	[bflag:$0x3] =	sbarrier.arrive $0xFFFF  }
0x38: {  	_ =	shalt  }

</sc_bundles>
